<compile_context>
chip_gen: v7x
topology: tpu7x:2x2x1
jax: 0.10.2.dev20260603
libtpu: 0.0.44.dev20260713+nightly
codegen_flags: <defaults>
</compile_context>

<pallas_src>
import functools

import jax
import jax.numpy as jnp
from jax.experimental import pallas as pl
from jax.experimental.pallas import tpu as pltpu
from jax.experimental.pallas import tpu_sc as plsc


def _main(x_ref, w_ref, b_ref, out_ref, acc_ref, *, s_len, n_chunks):
    k = pl.program_id(0)

    @pl.when(k == 0)
    def _init():
        acc_ref[...] = jnp.zeros_like(acc_ref)

    state_chunk = jnp.sum(x_ref[...], axis=1) * (1.0 / s_len)
    acc_ref[...] += jax.lax.dot_general(
        state_chunk, w_ref[...],
        dimension_numbers=(((1,), (1,)), ((), ())),
        preferred_element_type=jnp.float32)

    @pl.when(k == n_chunks - 1)
    def _finish():
        out_ref[...] = acc_ref[...] + b_ref[...]


def _tail(proj_ref, emb_ref, onehot_ref, out_ref):
    logits = jax.lax.dot_general(
        proj_ref[...], emb_ref[...],
        dimension_numbers=(((1,), (1,)), ((), ())),
        preferred_element_type=jnp.float32)
    m = jnp.max(logits, axis=1, keepdims=True)
    lse = jnp.log(jnp.sum(jnp.exp(logits - m), axis=1, keepdims=True)) + m
    logp = logits - lse
    picked = jnp.sum(logp * onehot_ref[...], axis=1, keepdims=True)
    out_ref[...] = jnp.sum(picked, axis=0, keepdims=True) * (-0.001 / logits.shape[0])


def _sc_gather(representations, indices128):
    E, H = representations.shape
    n_cores = 2
    per_core = E // n_cores
    mesh = plsc.ScalarSubcoreMesh(axis_name="core", num_cores=n_cores)

    @pl.kernel(out_type=jax.ShapeDtypeStruct((E, H), representations.dtype),
               mesh=mesh,
               scratch_types=[pltpu.SMEM((128,), jnp.int32),
                              pltpu.SemaphoreType.DMA])
    def gather_kernel(rep_hbm, idx_hbm, o_hbm, idx_smem, sem):
        core = jax.lax.axis_index("core")
        pltpu.async_copy(idx_hbm, idx_smem, sem).wait()

        @pl.loop(0, per_core)
        def _issue(i):
            r = core * per_core + i
            pltpu.async_copy(rep_hbm.at[idx_smem[r]], o_hbm.at[r], sem)

        @pl.loop(0, per_core)
        def _wait(i):
            r = core * per_core + i
            pltpu.make_async_copy(rep_hbm.at[idx_smem[r]], o_hbm.at[r],
                                  sem).wait()

    return gather_kernel(representations, indices128.reshape(128))


def kernel(hidden_states, representations, W, b, current_indices,
           current_expert_idx, current_depth):
    B, S, H = hidden_states.shape
    E = representations.shape[0]
    C = 256
    n = H // C

    idx128 = jnp.zeros((1, 128), jnp.int32).at[0, :E].set(
        current_indices.astype(jnp.int32))
    emb = _sc_gather(representations, idx128)
    onehot = (jax.lax.iota(jnp.int32, E)[None, :]
              == jnp.asarray(current_expert_idx, jnp.int32)).astype(jnp.float32)
    b2 = b.reshape(1, H)

    proj = pl.pallas_call(
        functools.partial(_main, s_len=S, n_chunks=n),
        grid=(n,),
        in_specs=[
            pl.BlockSpec((B, S, C), lambda k: (0, 0, k)),
            pl.BlockSpec((H, C), lambda k: (0, k)),
            pl.BlockSpec((1, H), lambda k: (0, 0)),
        ],
        out_specs=pl.BlockSpec((B, H), lambda k: (0, 0)),
        out_shape=jax.ShapeDtypeStruct((B, H), jnp.float32),
        scratch_shapes=[pltpu.VMEM((B, H), jnp.float32)],
    )(hidden_states, W, b2)

    out = pl.pallas_call(
        _tail,
        out_shape=jax.ShapeDtypeStruct((1, 1), jnp.float32),
    )(proj, emb, onehot)
    return out[0, 0]

# --- scband reference (transcript-rebuilt; emitter-appended) ---
"""Pipeline reference for scband-autopilot-35003983463113 (READ-ONLY COPY).

The authoritative reference and input builder live on the scoring server;
editing this copy changes nothing except your own understanding.
"""

import jax, jax.numpy as jnp
import numpy as np

B, S, H, E = 4, 2048, 4096, 64

def setup_inputs(seed: int = 0) -> dict:
    key = jax.random.key(seed)
    k1, k2, k3 = jax.random.split(key, 3)
    hidden_states = jax.random.normal(k1, (B, S, H), dtype=jnp.float32)
    representations = jax.random.normal(k2, (E, H), dtype=jnp.float32)
    W = jax.random.normal(k3, (H, H), dtype=jnp.float32) * 0.02
    b = jnp.zeros((H,), dtype=jnp.float32)
    current_indices = jnp.arange(E, dtype=jnp.int32)
    current_expert_idx = 7
    current_depth = 0
    return {
        "hidden_states": hidden_states,
        "representations": representations,
        "W": W,
        "b": b,
        "current_indices": current_indices,
        "current_expert_idx": current_expert_idx,
        "current_depth": current_depth,
    }

def reference(hidden_states, representations, W, b, current_indices, current_expert_idx, current_depth):
    # state = hidden_states.mean(dim=1)
    state = hidden_states.mean(axis=1)
    # projected_state = self.predictor(state) : Linear(H, H)
    projected_state = state @ W.T + b
    # available_embeddings = self.representations[current_indices]  (gather)
    available_embeddings = jnp.take(representations, current_indices, axis=0)
    # logits = projected_state @ available_embeddings.T
    logits = projected_state @ available_embeddings.T
    # training path: cross_entropy against constant target, scaled by loss_scale
    batch_size = hidden_states.shape[0]
    target = jnp.full((batch_size,), current_expert_idx, dtype=jnp.int32)
    logp = jax.nn.log_softmax(logits, axis=-1)
    nll = -jnp.take_along_axis(logp, target[:, None], axis=1)[:, 0]
    loss = nll.mean() * 0.001
    return loss

if __name__ == "__main__":
    import jax
    _d = setup_inputs()
    print(jax.jit(kernel)(*tuple(_d.values())))

</pallas_src>

<mosaic_0001>
#map = affine_map<(d0) -> (0, 0)>
#map1 = affine_map<(d0) -> (0)>
module attributes {stable_mosaic.version = 14 : i64} {
  func.func @gather_kernel(%arg0: i32, %arg1: memref<64x4096xf32, #tpu.memory_space<hbm>>, %arg2: memref<128xi32, #tpu.memory_space<hbm>>, %arg3: memref<64x4096xf32, #tpu.memory_space<hbm>>, %arg4: memref<128xi32, #tpu.memory_space<smem>>, %arg5: memref<!tpu.dma_semaphore, #tpu.memory_space<semaphore_mem>>) attributes {dimension_semantics = [#tpu.dimension_semantics<core_parallel>], iteration_bounds = array<i64: 2>, scalar_prefetch = 0 : i64, scratch_operands = 2 : i64, tpu.core_type = #tpu.core_type<sc_scalar_subcore>, window_params = [{transform_indices = #map}, {transform_indices = #map1}, {transform_indices = #map}]} {
    tpu.enqueue_dma source(%arg2 : memref<128xi32, #tpu.memory_space<hbm>>) target(%arg4 : memref<128xi32, #tpu.memory_space<smem>>) target_semaphore(%arg5 : memref<!tpu.dma_semaphore, #tpu.memory_space<semaphore_mem>>)
    tpu.wait_dma2 semaphore(%arg5 : memref<!tpu.dma_semaphore, #tpu.memory_space<semaphore_mem>>) src(%arg2 : memref<128xi32, #tpu.memory_space<hbm>>) dst(%arg4 : memref<128xi32, #tpu.memory_space<smem>>)
    %scan3A = arith.constant 0 : i32
    %scan3A_0 = arith.constant 32 : i32
    %scan3A_1 = arith.addi %scan3A, %scan3A_0 : i32
    %scan3A_2 = arith.constant 1 : i32
    scf.for %scan3A_9 = %scan3A to %scan3A_1 step %scan3A_2  : i32 {
      %mul3A = arith.constant 1 : i32
      %mul3A_10 = arith.muli %scan3A_9, %mul3A : i32
      %add3A = arith.constant 0 : i32
      %add3A_11 = arith.addi %add3A, %mul3A_10 : i32
      %mul3A_12 = arith.constant 32 : i32
      %mul3A_13 = arith.muli %arg0, %mul3A_12 : i32
      %add3A_14 = arith.addi %mul3A_13, %add3A_11 : i32
      %get3A = arith.index_cast %add3A_14 : i32 to index
      %get3A_15 = memref.load %arg4[%get3A] : memref<128xi32, #tpu.memory_space<smem>>
      %dma_start3A = arith.constant 0 : i32
      %dma_start3A_16 = tpu.memref_slice %arg3[%add3A_14, %dma_start3A] : memref<64x4096xf32, #tpu.memory_space<hbm>> -> memref<1x4096xf32, #tpu.memory_space<hbm>>
      %dma_start3A_17 = tpu.memref_squeeze %dma_start3A_16 : memref<1x4096xf32, #tpu.memory_space<hbm>> -> memref<4096xf32, #tpu.memory_space<hbm>>
      %dma_start3A_18 = arith.constant 0 : i32
      %dma_start3A_19 = tpu.memref_slice %arg1[%get3A_15, %dma_start3A_18] : memref<64x4096xf32, #tpu.memory_space<hbm>> -> memref<1x4096xf32, #tpu.memory_space<hbm>>
      %dma_start3A_20 = tpu.memref_squeeze %dma_start3A_19 : memref<1x4096xf32, #tpu.memory_space<hbm>> -> memref<4096xf32, #tpu.memory_space<hbm>>
      tpu.enqueue_dma source(%dma_start3A_20 : memref<4096xf32, #tpu.memory_space<hbm>>) target(%dma_start3A_17 : memref<4096xf32, #tpu.memory_space<hbm>>) target_semaphore(%arg5 : memref<!tpu.dma_semaphore, #tpu.memory_space<semaphore_mem>>)
    }
    %scan3A_3 = arith.constant 32 : i32
    %scan3A_4 = arith.constant 0 : i32
    %scan3A_5 = arith.constant 32 : i32
    %scan3A_6 = arith.addi %scan3A_4, %scan3A_5 : i32
    %scan3A_7 = arith.constant 1 : i32
    scf.for %scan3A_9 = %scan3A_4 to %scan3A_6 step %scan3A_7  : i32 {
      %mul3A = arith.constant 1 : i32
      %mul3A_10 = arith.muli %scan3A_9, %mul3A : i32
      %add3A = arith.constant 0 : i32
      %add3A_11 = arith.addi %add3A, %mul3A_10 : i32
      %mul3A_12 = arith.constant 32 : i32
      %mul3A_13 = arith.muli %arg0, %mul3A_12 : i32
      %add3A_14 = arith.addi %mul3A_13, %add3A_11 : i32
      %get3A = arith.index_cast %add3A_14 : i32 to index
      %get3A_15 = memref.load %arg4[%get3A] : memref<128xi32, #tpu.memory_space<smem>>
      %dma_wait3A = arith.constant 0 : i32
      %dma_wait3A_16 = tpu.memref_slice %arg3[%add3A_14, %dma_wait3A] : memref<64x4096xf32, #tpu.memory_space<hbm>> -> memref<1x4096xf32, #tpu.memory_space<hbm>>
      %dma_wait3A_17 = tpu.memref_squeeze %dma_wait3A_16 : memref<1x4096xf32, #tpu.memory_space<hbm>> -> memref<4096xf32, #tpu.memory_space<hbm>>
      %dma_wait3A_18 = arith.constant 0 : i32
      %dma_wait3A_19 = tpu.memref_slice %arg1[%get3A_15, %dma_wait3A_18] : memref<64x4096xf32, #tpu.memory_space<hbm>> -> memref<1x4096xf32, #tpu.memory_space<hbm>>
      %dma_wait3A_20 = tpu.memref_squeeze %dma_wait3A_19 : memref<1x4096xf32, #tpu.memory_space<hbm>> -> memref<4096xf32, #tpu.memory_space<hbm>>
      tpu.wait_dma2 semaphore(%arg5 : memref<!tpu.dma_semaphore, #tpu.memory_space<semaphore_mem>>) src(%dma_wait3A_20 : memref<4096xf32, #tpu.memory_space<hbm>>) dst(%dma_wait3A_17 : memref<4096xf32, #tpu.memory_space<hbm>>)
    }
    %scan3A_8 = arith.constant 32 : i32
    return
  }
}

module attributes {stable_mosaic.version = 14 : i64} {
  func.func @_tail(%arg0: memref<4x4096xf32, #tpu.memory_space<vmem>>, %arg1: memref<64x4096xf32, #tpu.memory_space<vmem>>, %arg2: memref<1x64xf32, #tpu.memory_space<vmem>>, %arg3: memref<1x1xf32, #tpu.memory_space<vmem>>) attributes {dimension_semantics = [], scalar_prefetch = 0 : i64, scratch_operands = 0 : i64, tpu.core_type = #tpu.core_type<tc>} {
    %get3A = arith.constant 0 : index
    %get3A_0 = arith.constant 0 : index
    %get3A_1 = vector.load %arg0[%get3A, %get3A_0] : memref<4x4096xf32, #tpu.memory_space<vmem>>, vector<4x4096xf32>
    %get3A_2 = arith.constant 0 : index
    %get3A_3 = arith.constant 0 : index
    %get3A_4 = vector.load %arg1[%get3A_2, %get3A_3] : memref<64x4096xf32, #tpu.memory_space<vmem>>, vector<64x4096xf32>
    %dot_general3A = arith.constant dense<0.000000e+00> : vector<4x64xf32>
    %dot_general3A_5 = tpu.matmul %get3A_1, %get3A_4, %dot_general3A {dimension_numbers = #tpu.dot_dimension_numbers<[1], [1], [0], [0], [0, 0, 1, 0], [], []>, transpose_lhs_hint = false} : vector<4x4096xf32>, vector<64x4096xf32>, vector<4x64xf32> -> vector<4x64xf32>
    %reduce_max3A = arith.constant dense<0xFF800000> : vector<4xf32>
    %reduce_max3A_6 = vector.multi_reduction <maximumf>, %dot_general3A_5, %reduce_max3A [1] : vector<4x64xf32> to vector<4xf32>
    %broadcast_in_dim3A = vector.shape_cast %reduce_max3A_6 : vector<4xf32> to vector<4x1xf32>
    %sub3A = vector.broadcast %broadcast_in_dim3A : vector<4x1xf32> to vector<4x64xf32>
    %sub3A_7 = arith.subf %dot_general3A_5, %sub3A : vector<4x64xf32>
    %exp3A = math.exp %sub3A_7 : vector<4x64xf32>
    %reduce_sum3A = arith.constant dense<0.000000e+00> : vector<4xf32>
    %reduce_sum3A_8 = vector.multi_reduction <add>, %exp3A, %reduce_sum3A [1] : vector<4x64xf32> to vector<4xf32>
    %broadcast_in_dim3A_9 = vector.shape_cast %reduce_sum3A_8 : vector<4xf32> to vector<4x1xf32>
    %log3A = math.log %broadcast_in_dim3A_9 : vector<4x1xf32>
    %add3A = arith.addf %log3A, %broadcast_in_dim3A : vector<4x1xf32>
    %sub3A_10 = vector.broadcast %add3A : vector<4x1xf32> to vector<4x64xf32>
    %sub3A_11 = arith.subf %dot_general3A_5, %sub3A_10 : vector<4x64xf32>
    %get3A_12 = arith.constant 0 : index
    %get3A_13 = arith.constant 0 : index
    %get3A_14 = vector.load %arg2[%get3A_12, %get3A_13] : memref<1x64xf32, #tpu.memory_space<vmem>>, vector<1x64xf32>
    %mul3A = vector.broadcast %get3A_14 : vector<1x64xf32> to vector<4x64xf32>
    %mul3A_15 = arith.mulf %sub3A_11, %mul3A : vector<4x64xf32>
    %reduce_sum3A_16 = arith.constant dense<0.000000e+00> : vector<4xf32>
    %reduce_sum3A_17 = vector.multi_reduction <add>, %mul3A_15, %reduce_sum3A_16 [1] : vector<4x64xf32> to vector<4xf32>
    %broadcast_in_dim3A_18 = vector.shape_cast %reduce_sum3A_17 : vector<4xf32> to vector<4x1xf32>
    %reduce_sum3A_19 = arith.constant dense<0.000000e+00> : vector<1xf32>
    %reduce_sum3A_20 = vector.multi_reduction <add>, %broadcast_in_dim3A_18, %reduce_sum3A_19 [0] : vector<4x1xf32> to vector<1xf32>
    %broadcast_in_dim3A_21 = vector.shape_cast %reduce_sum3A_20 : vector<1xf32> to vector<1x1xf32>
    %mul3A_22 = arith.constant -2.500000e-04 : f32
    %mul3A_23 = vector.broadcast %mul3A_22 : f32 to vector<1x1xf32>
    %mul3A_24 = arith.mulf %broadcast_in_dim3A_21, %mul3A_23 : vector<1x1xf32>
    %swap3A = arith.constant 0 : index
    %swap3A_25 = arith.constant 0 : index
    %swap3A_26 = vector.load %arg3[%swap3A, %swap3A_25] : memref<1x1xf32, #tpu.memory_space<vmem>>, vector<1x1xf32>
    tpu.vector_store %arg3[%swap3A, %swap3A_25], %mul3A_24 {strides = array<i32>} : memref<1x1xf32, #tpu.memory_space<vmem>>, vector<1x1xf32>,
    return
  }
}

module attributes {stable_mosaic.version = 14 : i64} {
  func.func @_main(%arg0: i32, %arg1: memref<4x2048x256xf32, #tpu.memory_space<vmem>>, %arg2: memref<4096x256xf32, #tpu.memory_space<vmem>>, %arg3: memref<1x4096xf32, #tpu.memory_space<vmem>>, %arg4: memref<4x4096xf32, #tpu.memory_space<vmem>>, %arg5: memref<4x4096xf32, #tpu.memory_space<vmem>>) attributes {dimension_semantics = [#tpu.dimension_semantics<arbitrary>], iteration_bounds = array<i64: 16>, scalar_prefetch = 0 : i64, scratch_operands = 1 : i64, tpu.core_type = #tpu.core_type<tc>, window_params = [{transform_indices = @transform_0, window_bounds = array<i64: 4, 2048, 256>}, {transform_indices = @transform_1, window_bounds = array<i64: 4096, 256>}, {pipeline_mode = #tpu.pipeline_mode<synchronous>, transform_indices = @transform_2, window_bounds = array<i64: 1, 4096>}, {pipeline_mode = #tpu.pipeline_mode<synchronous>, transform_indices = @transform_3, window_bounds = array<i64: 4, 4096>}]} {
    %eq3A = arith.constant 0 : i32
    %eq3A_0 = arith.cmpi eq, %arg0, %eq3A : i32
    %convert_element_type3A = arith.extui %eq3A_0 : i1 to i32
    %cond3A = arith.constant 0 : i32
    %cond3A_1 = arith.cmpi ne, %convert_element_type3A, %cond3A : i32
    scf.if %cond3A_1 {
      %broadcast_in_dim3A = arith.constant 0.000000e+00 : f32
      %broadcast_in_dim3A_22 = vector.broadcast %broadcast_in_dim3A : f32 to vector<4x4096xf32>
      %swap3A_23 = arith.constant 0 : index
      %swap3A_24 = arith.constant 0 : index
      %swap3A_25 = vector.load %arg5[%swap3A_23, %swap3A_24] : memref<4x4096xf32, #tpu.memory_space<vmem>>, vector<4x4096xf32>
      tpu.vector_store %arg5[%swap3A_23, %swap3A_24], %broadcast_in_dim3A_22 {strides = array<i32>} : memref<4x4096xf32, #tpu.memory_space<vmem>>, vector<4x4096xf32>,
    } else {
    }
    %get3A = arith.constant 0 : index
    %get3A_2 = arith.constant 0 : index
    %get3A_3 = arith.constant 0 : index
    %get3A_4 = vector.load %arg1[%get3A, %get3A_2, %get3A_3] : memref<4x2048x256xf32, #tpu.memory_space<vmem>>, vector<4x2048x256xf32>
    %reduce_sum3A = arith.constant dense<0.000000e+00> : vector<4x256xf32>
    %reduce_sum3A_5 = vector.multi_reduction <add>, %get3A_4, %reduce_sum3A [1] : vector<4x2048x256xf32> to vector<4x256xf32>
    %mul3A = arith.constant 4.8828125E-4 : f32
    %mul3A_6 = vector.broadcast %mul3A : f32 to vector<4x256xf32>
    %mul3A_7 = arith.mulf %reduce_sum3A_5, %mul3A_6 : vector<4x256xf32>
    %get3A_8 = arith.constant 0 : index
    %get3A_9 = arith.constant 0 : index
    %get3A_10 = vector.load %arg5[%get3A_8, %get3A_9] : memref<4x4096xf32, #tpu.memory_space<vmem>>, vector<4x4096xf32>
    %get3A_11 = arith.constant 0 : index
    %get3A_12 = arith.constant 0 : index
    %get3A_13 = vector.load %arg2[%get3A_11, %get3A_12] : memref<4096x256xf32, #tpu.memory_space<vmem>>, vector<4096x256xf32>
    %dot_general3A = arith.constant dense<0.000000e+00> : vector<4x4096xf32>
    %dot_general3A_14 = tpu.matmul %mul3A_7, %get3A_13, %dot_general3A {dimension_numbers = #tpu.dot_dimension_numbers<[1], [1], [0], [0], [0, 0, 1, 0], [], []>, transpose_lhs_hint = false} : vector<4x256xf32>, vector<4096x256xf32>, vector<4x4096xf32> -> vector<4x4096xf32>
    %add3A = arith.addf %get3A_10, %dot_general3A_14 : vector<4x4096xf32>
    %swap3A = arith.constant 0 : index
    %swap3A_15 = arith.constant 0 : index
    %swap3A_16 = vector.load %arg5[%swap3A, %swap3A_15] : memref<4x4096xf32, #tpu.memory_space<vmem>>, vector<4x4096xf32>
    tpu.vector_store %arg5[%swap3A, %swap3A_15], %add3A {strides = array<i32>} : memref<4x4096xf32, #tpu.memory_space<vmem>>, vector<4x4096xf32>,
    %eq3A_17 = arith.constant 15 : i32
    %eq3A_18 = arith.cmpi eq, %arg0, %eq3A_17 : i32
    %convert_element_type3A_19 = arith.extui %eq3A_18 : i1 to i32
    %cond3A_20 = arith.constant 0 : i32
    %cond3A_21 = arith.cmpi ne, %convert_element_type3A_19, %cond3A_20 : i32
    scf.if %cond3A_21 {
      %get3A_22 = arith.constant 0 : index
      %get3A_23 = arith.constant 0 : index
      %get3A_24 = vector.load %arg5[%get3A_22, %get3A_23] : memref<4x4096xf32, #tpu.memory_space<vmem>>, vector<4x4096xf32>
      %get3A_25 = arith.constant 0 : index
      %get3A_26 = arith.constant 0 : index
      %get3A_27 = vector.load %arg3[%get3A_25, %get3A_26] : memref<1x4096xf32, #tpu.memory_space<vmem>>, vector<1x4096xf32>
      %add3A_28 = vector.broadcast %get3A_27 : vector<1x4096xf32> to vector<4x4096xf32>
      %add3A_29 = arith.addf %get3A_24, %add3A_28 : vector<4x4096xf32>
      %swap3A_30 = arith.constant 0 : index
      %swap3A_31 = arith.constant 0 : index
      %swap3A_32 = vector.load %arg4[%swap3A_30, %swap3A_31] : memref<4x4096xf32, #tpu.memory_space<vmem>>, vector<4x4096xf32>
      tpu.vector_store %arg4[%swap3A_30, %swap3A_31], %add3A_29 {strides = array<i32>} : memref<4x4096xf32, #tpu.memory_space<vmem>>, vector<4x4096xf32>,
    } else {
    }
    return
  }
  func.func @transform_0(%arg0: i32) -> (i32, i32, i32) {
    %c0_i32 = arith.constant 0 : i32
    %c0_i32_0 = arith.constant 0 : i32
    %c0_i32_1 = arith.constant 0 : i32
    return %c0_i32, %c0_i32_0, %arg0 : i32, i32, i32
  }
  func.func @transform_1(%arg0: i32) -> (i32, i32) {
    %c0_i32 = arith.constant 0 : i32
    %c0_i32_0 = arith.constant 0 : i32
    return %c0_i32, %arg0 : i32, i32
  }
  func.func @transform_2(%arg0: i32) -> (i32, i32) {
    %c0_i32 = arith.constant 0 : i32
    %c0_i32_0 = arith.constant 0 : i32
    %c0_i32_1 = arith.constant 0 : i32
    return %c0_i32, %c0_i32_0 : i32, i32
  }
  func.func @transform_3(%arg0: i32) -> (i32, i32) {
    %c0_i32 = arith.constant 0 : i32
    %c0_i32_0 = arith.constant 0 : i32
    %c0_i32_1 = arith.constant 0 : i32
    return %c0_i32, %c0_i32_0 : i32, i32
  }
}

</mosaic_0001>

<sc_bundles>
// kernel: kernel.5.cloned.1.call-start
scs
__scs_entry_jumppad:
0x0: {  	(pc) =	sbr.rel $0x88, $3  }
0x1: {  	(tag) =	ssettag $0x0;
	lr =	simm.s32 $0x1  }
0x2: {  	[smem:$0x3F9B] =	sst lr;
	_ =	strace $0xD0000000  }
0x3: {  	_ = 	snop  }
0x4: {  	_ = 	snop  }
0x5: {  	_ = 	snop  }
0x6: {  	_ = 	snop  }
0x7: {  	_ = 	snop  }
__scs_overlays_trampoline_lowered:
0x8: {  	[smem:$0x3FAA] =	sst s0  }
0x9: {  	[smem:$0x3FAB] =	sst s1  }
0xa: {  	[smem:$0x3FAC] =	sst s2  }
0xb: {  	[smem:$0x3FAD] =	sst s3  }
0xc: {  	[smem:$0x3FAE] =	sst s4  }
0xd: {  	[smem:$0x3FAF] =	sst s5  }
0xe: {  	[smem:$0x3FB0] =	sst s6  }
0xf: {  	[smem:$0x3FB1] =	sst s7  }
0x10: {  	[smem:$0x3FB2] =	sst s8  }
0x11: {  	[smem:$0x3FB3] =	sst s9;
	s0 =	simm.s32 @!p0 $0x0  }
0x12: {  	s1 =	sld [smem:$0x3F99];
	s0 =	simm.s32 @p0 $0x1  }
0x13: {  	[smem:$0x3FB4] =	sst s0;
	s0 =	simm.s32 @!p1 $0x0  }
0x14: {  	s2 =	sld [smem:$0x3F98];
	s0 =	simm.s32 @p1 $0x1  }
0x15: {  	[smem:$0x3FB5] =	sst s0;
	s0 =	simm.s32 @!p2 $0x0  }
0x16: {  	s3 =	sld [smem:$0x3FDB];
	s0 =	simm.s32 @p2 $0x1  }
0x17: {  	s4 =	simm.s32 $0x1BF5;
	[smem:$0x3FB7] =	sst s0  }
0x18: {  	s0 =	sld [smem:$0x3F9A];
	_ =	swait.ge [sflag:s4], $0x0  }
0x19: {  	s7 =	sld [smem:$0x3F9B]  }
0x1a: {  	s8 =	sadd.s32 $0xFFFFE003, lr  }
0x1b: {  	s9 =	sadd.s32 $0xFFFFFEF7, lr;
	s5 =	simm.s32 $0xFFFFFFFF;
	p2 =	slt.u32 s8, $0xFFFFF086  }
0x1c: {  	p1 =	slt.u32 s9, $0xF7A;
	s5 =	simm.s32 @!p2 $0x0  }
0x1d: {  	s5 =	simm.s32 @p1 $0x1;
	p0 =	seq.s32 s7, s2  }
0x1e: {  	s7 =	smul.u32 @!p0 $0xF7A, s2;
	p2 =	seq.s32 @!p0 s5, $0x0  }
0x1f: {  	s9 =	smul.u32 $0xF7A, s1;
	s8 =	simm.s32 @!p0 $0x1BF5;
	p2 =	por !p2, p0  }
0x20: {  	[sflag:s8] =	ssyncset.s32 @!p0 $0xFFFFF086;
	s6 =	sadd.s32 @!p0 s3, s7;
	s7 =	simm.s32 @!p0 $0x108  }
0x21: {  	s3 =	sadd.s32 s3, s9;
	s6 =	sadd.s32 @!p0 $0x88, s6;
	s7 =	simm.s32 @p2 $0x1082  }
0x22: {  	[simem:s7], [sflag:s8] =	dma.local @!p0 [hbm:s6], $0xF7A  }
0x23: {  	s9 =	sor.u32 $0xD0000000, s2;
	s6 =	simm.s32 $0x108;
	_ =	swait.ge @!p0 [sflag:s8], $0x0  }
0x24: {  	s3 =	sadd.s32 $0x88, s3;
	s6 =	simm.s32 @!p1 $0x1082;
	[sflag:s4] =	ssyncset.s32 $0xFFFFF086  }
0x25: {  	[simem:s6], [sflag:s4] =	dma.local [hbm:s3], $0xF7A  }
0x26: {  	[smem:$0x3F9B] =	sst s1;
	(tag) =	ssettag s2;
	_ =	strace s9  }
0x27: {  	s1 =	sld [smem:$0x3FAB]  }
0x28: {  	s2 =	sld [smem:$0x3FAC]  }
0x29: {  	s4 =	sld [smem:$0x3FAE]  }
0x2a: {  	p0 =	seq.s32 s5, $0x0;
	s5 =	sld [smem:$0x3FAF]  }
0x2b: {  	s6 =	sld [smem:$0x3FB0]  }
0x2c: {  	s7 =	sld [smem:$0x3FB1]  }
0x2d: {  	s3 =	simm.s32 $0x108;
	s8 =	sld [smem:$0x3FB2]  }
0x2e: {  	s3 =	simm.s32 @!p0 $0x1082;
	s9 =	sld [smem:$0x3FB3]  }
0x2f: {  	lr =	sadd.s32 s0, s3;
	s0 =	sld [smem:$0x3FAA]  }
0x30: {  	s3 =	sld [smem:$0x3FAD]  }
0x31: {  	[smem:$0x3FB6] =	sst s10  }
0x32: {  	s10 =	sld [smem:$0x3FB4];
	_ =	sdelay $0x3  }
0x33: {  	p0 =	seq.s32 s10, $0x1;
	s10 =	sld [smem:$0x3FB6];
	_ =	sdelay $0x3  }
0x34: {  	[smem:$0x3FB6] =	sst s10  }
0x35: {  	s10 =	sld [smem:$0x3FB5];
	_ =	sdelay $0x3  }
0x36: {  	p1 =	seq.s32 s10, $0x1;
	s10 =	sld [smem:$0x3FB6];
	_ =	sdelay $0x3  }
0x37: {  	[smem:$0x3FB6] =	sst s10  }
0x38: {  	s10 =	sld [smem:$0x3FB7]  }
0x39: {  	_ = 	snop;
	(pc) =	sbr.ind lr, $3  }
0x3a: {  	_ = 	snop  }
0x3b: {  	_ = 	snop  }
0x3c: {  	p2 =	seq.s32 s10, $0x1;
	s10 =	sld [smem:$0x3FB6]  }
0x3d: {  	_ =	shalt  }
0x3e: {  	_ =	shalt  }
0x3f: {  	_ =	shalt  }
0x40: {  	_ =	shalt  }
0x41: {  	_ =	shalt  }
0x42: {  	_ =	shalt  }
0x43: {  	_ =	shalt  }
0x44: {  	_ =	shalt  }
0x45: {  	_ =	shalt  }
0x46: {  	_ =	shalt  }
0x47: {  	_ =	shalt  }
0x48: {  	_ =	shalt  }
0x49: {  	_ =	shalt  }
0x4a: {  	_ =	shalt  }
0x4b: {  	_ =	shalt  }
0x4c: {  	_ =	shalt  }
0x4d: {  	_ =	shalt  }
0x4e: {  	_ =	shalt  }
0x4f: {  	_ =	shalt  }
0x50: {  	_ =	shalt  }
0x51: {  	_ =	shalt  }
0x52: {  	_ =	shalt  }
0x53: {  	_ =	shalt  }
0x54: {  	_ =	shalt  }
0x55: {  	_ =	shalt  }
0x56: {  	_ =	shalt  }
0x57: {  	_ =	shalt  }
0x58: {  	_ =	shalt  }
0x59: {  	_ =	shalt  }
0x5a: {  	_ =	shalt  }
0x5b: {  	_ =	shalt  }
0x5c: {  	_ =	shalt  }
0x5d: {  	_ =	shalt  }
0x5e: {  	_ =	shalt  }
0x5f: {  	_ =	shalt  }
0x60: {  	_ =	shalt  }
0x61: {  	_ =	shalt  }
0x62: {  	_ =	shalt  }
0x63: {  	_ =	shalt  }
0x64: {  	_ =	shalt  }
0x65: {  	_ =	shalt  }
0x66: {  	_ =	shalt  }
0x67: {  	_ =	shalt  }
0x68: {  	_ =	shalt  }
0x69: {  	_ =	shalt  }
0x6a: {  	_ =	shalt  }
0x6b: {  	_ =	shalt  }
0x6c: {  	_ =	shalt  }
0x6d: {  	_ =	shalt  }
0x6e: {  	_ =	shalt  }
0x6f: {  	_ =	shalt  }
0x70: {  	_ =	shalt  }
0x71: {  	_ =	shalt  }
0x72: {  	_ =	shalt  }
0x73: {  	_ =	shalt  }
0x74: {  	_ =	shalt  }
0x75: {  	_ =	shalt  }
0x76: {  	_ =	shalt  }
0x77: {  	_ =	shalt  }
0x78: {  	_ =	shalt  }
0x79: {  	_ =	shalt  }
0x7a: {  	_ =	shalt  }
0x7b: {  	_ =	shalt  }
0x7c: {  	_ =	shalt  }
0x7d: {  	_ =	shalt  }
0x7e: {  	_ =	shalt  }
0x7f: {  	_ =	shalt  }
0x80: {  	_ =	shalt  }
0x81: {  	_ =	shalt  }
0x82: {  	_ =	shalt  }
0x83: {  	_ =	shalt  }
0x84: {  	_ =	shalt  }
0x85: {  	_ =	shalt  }
0x86: {  	_ =	shalt  }
0x87: {  	_ =	shalt  }
.Lfunc_end0:
.L_simem_size_0:
called_computation_lowered:
.L_overlay_start_0:
0x88: {  	s2 =	sld [smem:$0x3FD9]  }
0x89: {  	s3 =	sld [smem:$0x3FFE];
	_ =	sdelay $0x1  }
0x8a: {  	s1 =	srdreg.scid  }
0x8b: {  	s0 =	sand.u32 $0x1, s1  }
0x8c: {  	s23 =	sshll.u32 s0, $0xA;
	s2 =	sadd.s32 s3, s2  }
0x8d: {  	s2 =	sadd.s32 s2, s23  }
0x8e: {  	s7 =	simm.s32 $0x0;
	[smem:$0x3FC2] =	sst s2  }
0x8f: {  	[smem:$0xF] =	sst s7  }
0x90: {  	s2 =	sld [smem:$0x3FC8]  }
0x91: {  	s4 =	sld [smem:$0x3FD0];
	(tm) =	ssettm $0x1  }
0x92: {  	s24 =	sld [smem:$0x3FFB];
	_ =	sdelay $0x3  }
0x93: {  	_ =	strace s24  }
0x94: {  	s3 =	sld [smem:$0x3FFC];
	_ =	sdelay $0x3  }
0x95: {  	_ =	strace s3  }
0x96: {  	s3 =	sld [smem:$0x3FFD];
	_ =	sdelay $0x3  }
0x97: {  	_ =	strace s3  }
0x98: {  	s25 =	simm.s32 $0x1B8B;
	_ =	strace $0x8FFFFFFF  }
0x99: {  	_ =	swait.ge [sflag:s25], $0x1  }
0x9a: {  	[sflag:s25] =	ssyncset.done $0x0  }
0x9b: {  	s26 =	simm.s32 $0x1B8E;
	[sflag:s25] =	ssyncadd.s32 $0xFFFFFFFF  }
0x9c: {  	s6 =	simm.s32 $0x10;
	[smem:$0x3FD2] =	sst s26  }
0x9d: {  	s3 =	simm.s32 $0x9;
	s5 =	sld [smem:$0x3FFE];
	_ =	strace $0x80000046  }
0x9e: {  	[smem:s6], [sflag:s3] =	dma.local [hbm:s4], $0x10  }
0x9f: {  	_ =	swait.ge [sflag:s3], $0x10  }
0xa0: {  	s28 =	sshll.u32 s0, $0x5;
	[sflag:s3] =	ssyncset.done $0x0  }
0xa1: {  	s8 =	sor.u32 $0x10, s28;
	[sflag:s3] =	ssyncadd.s32 $0xFFFFFFF0  }
0xa2: {  	s29 =	sld [smem:s8+$0x0];
	_ =	sdelay $0x2  }
0xa3: {  	s7 =	sand.u32 $0x70, s7  }
0xa4: {  	s4 =	sadd.s32 $0x400, s5;
	s30 =	sshll.u32 s29, $0xC;
	s9 =	sshll.u32 s29, $0x7  }
0xa5: {  	s6 =	sshll.u32 s0, $0xE;
	s10 =	sand.u32 $0xFFFF8000, s30;
	s9 =	sand.u32 $0x380, s9  }
0xa6: {  	s5 =	simm.s32 $0x1;
	s31 =	sand.u32 $0x7000, s6;
	s9 =	sor.u32 s9, s10  }
0xa7: {  	s11 =	sadd.s32 s4, s7;
	s7 =	simm.s32 $0x80;
	s9 =	sshrl.u32 s9, $0x3  }
0xa8: {  	s8 =	sadd.s32 $0x1, s8;
	s10 =	sadd.s32 s31, s11;
	s9 =	sadd.s32 s2, s9  }
0xa9: {  	[hbm:s10@s7], [sflag:s3] =	dma.strided [hbm:s9@s7], $0x200, s5, $0x10   }
0xaa: {  	s10 =	simm.s32 $0x10;
	s9 =	simm.s32 $0x20;
	s11 =	sld [smem:s8+$0x0]  }
.LBB1_1:
0xab: {  	p0 =	sne.s32 s9, $0x1F0;
	_ =	sdelay $0x2  }
0xac: {  	s12 =	sshll.u32 s11, $0xC;
	s11 =	sshll.u32 s11, $0x7  }
0xad: {  	s10 =	sand.u32 $0x70, s10;
	s12 =	sand.u32 $0xFFFF8000, s12;
	s11 =	sand.u32 $0x380, s11  }
0xae: {  	s6 =	sadd.s32 $0x200, s6;
	s10 =	sadd.s32 s4, s10;
	s11 =	sor.u32 s11, s12  }
.Ltmp0:
0xaf: {  	s12 =	sand.u32 $0x7000, s6;
	s11 =	sshrl.u32 s11, $0x3;
	(pc) =	sbr.rel @p0 .LBB1_1-.Ltmp0, $3  }
0xb0: {  	s8 =	sadd.s32 $0x1, s8;
	s10 =	sadd.s32 s12, s10;
	s11 =	sadd.s32 s2, s11  }
0xb1: {  	[hbm:s10@s7], [sflag:s3] =	dma.strided [hbm:s11@s7], $0x200, s5, $0x10   }
0xb2: {  	s10 =	smov.u32 s9;
	s9 =	sadd.s32 $0x10, s9;
	s11 =	sld [smem:s8+$0x0]  }
0xb3: {  	_ =	sdelay $0x2  }
0xb4: {  	s8 =	sshll.u32 s11, $0xC;
	s9 =	sshll.u32 s11, $0x7  }
0xb5: {  	s8 =	sand.u32 $0xFFFF8000, s8;
	s9 =	sand.u32 $0x380, s9  }
0xb6: {  	s10 =	sand.u32 $0x70, s10;
	s6 =	sadd.s32 $0x200, s6;
	s8 =	sor.u32 s9, s8  }
0xb7: {  	s6 =	sand.u32 $0x7000, s6;
	s4 =	sadd.s32 s4, s10;
	s8 =	sshrl.u32 s8, $0x3  }
0xb8: {  	s28 =	simm.s32 $0x9;
	s4 =	sadd.s32 s6, s4;
	s2 =	sadd.s32 s2, s8  }
0xb9: {  	[hbm:s4@s7], [sflag:s3] =	dma.strided [hbm:s2@s7], $0x200, s5, $0x10   }
0xba: {  	_ =	swait.ge [sflag:s28], $0x200  }
0xbb: {  	[sflag:s28] =	ssyncset.done $0x0  }
0xbc: {  	[sflag:s28] =	ssyncadd.s32 $0xFFFFFE00;
	_ =	sdelay $0x2  }
0xbd: {  	_ =	swait.ge [sflag:s28], $0x200  }
0xbe: {  	[sflag:s28] =	ssyncset.done $0x0  }
0xbf: {  	[sflag:s28] =	ssyncadd.s32 $0xFFFFFE00;
	_ =	sdelay $0x2  }
0xc0: {  	_ =	swait.ge [sflag:s28], $0x200  }
0xc1: {  	[sflag:s28] =	ssyncset.done $0x0  }
0xc2: {  	[sflag:s28] =	ssyncadd.s32 $0xFFFFFE00;
	_ =	sdelay $0x2  }
0xc3: {  	_ =	swait.ge [sflag:s28], $0x200  }
0xc4: {  	[sflag:s28] =	ssyncset.done $0x0  }
0xc5: {  	[sflag:s28] =	ssyncadd.s32 $0xFFFFFE00;
	_ =	sdelay $0x2  }
0xc6: {  	_ =	swait.ge [sflag:s28], $0x200  }
0xc7: {  	[sflag:s28] =	ssyncset.done $0x0  }
0xc8: {  	[sflag:s28] =	ssyncadd.s32 $0xFFFFFE00;
	_ =	sdelay $0x2  }
0xc9: {  	_ =	swait.ge [sflag:s28], $0x200  }
0xca: {  	[sflag:s28] =	ssyncset.done $0x0  }
0xcb: {  	[sflag:s28] =	ssyncadd.s32 $0xFFFFFE00;
	_ =	sdelay $0x2  }
0xcc: {  	_ =	swait.ge [sflag:s28], $0x200  }
0xcd: {  	[sflag:s28] =	ssyncset.done $0x0  }
0xce: {  	[sflag:s28] =	ssyncadd.s32 $0xFFFFFE00;
	_ =	sdelay $0x2  }
0xcf: {  	_ =	swait.ge [sflag:s28], $0x200  }
0xd0: {  	[sflag:s28] =	ssyncset.done $0x0  }
0xd1: {  	[sflag:s28] =	ssyncadd.s32 $0xFFFFFE00;
	_ =	sdelay $0x2  }
0xd2: {  	_ =	swait.ge [sflag:s28], $0x200  }
0xd3: {  	[sflag:s28] =	ssyncset.done $0x0  }
0xd4: {  	[sflag:s28] =	ssyncadd.s32 $0xFFFFFE00;
	_ =	sdelay $0x2  }
0xd5: {  	_ =	swait.ge [sflag:s28], $0x200  }
0xd6: {  	[sflag:s28] =	ssyncset.done $0x0  }
0xd7: {  	[sflag:s28] =	ssyncadd.s32 $0xFFFFFE00;
	_ =	sdelay $0x2  }
0xd8: {  	_ =	swait.ge [sflag:s28], $0x200  }
0xd9: {  	[sflag:s28] =	ssyncset.done $0x0  }
0xda: {  	[sflag:s28] =	ssyncadd.s32 $0xFFFFFE00;
	_ =	sdelay $0x2  }
0xdb: {  	_ =	swait.ge [sflag:s28], $0x200  }
0xdc: {  	[sflag:s28] =	ssyncset.done $0x0  }
0xdd: {  	[sflag:s28] =	ssyncadd.s32 $0xFFFFFE00;
	_ =	sdelay $0x2  }
0xde: {  	_ =	swait.ge [sflag:s28], $0x200  }
0xdf: {  	[sflag:s28] =	ssyncset.done $0x0  }
0xe0: {  	[sflag:s28] =	ssyncadd.s32 $0xFFFFFE00;
	_ =	sdelay $0x2  }
0xe1: {  	_ =	swait.ge [sflag:s28], $0x200  }
0xe2: {  	[sflag:s28] =	ssyncset.done $0x0  }
0xe3: {  	[sflag:s28] =	ssyncadd.s32 $0xFFFFFE00;
	_ =	sdelay $0x2  }
0xe4: {  	_ =	swait.ge [sflag:s28], $0x200  }
0xe5: {  	[sflag:s28] =	ssyncset.done $0x0  }
0xe6: {  	[sflag:s28] =	ssyncadd.s32 $0xFFFFFE00;
	_ =	sdelay $0x2  }
0xe7: {  	_ =	swait.ge [sflag:s28], $0x200  }
0xe8: {  	[sflag:s28] =	ssyncset.done $0x0  }
0xe9: {  	[sflag:s28] =	ssyncadd.s32 $0xFFFFFE00;
	_ =	sdelay $0x2  }
0xea: {  	_ =	swait.ge [sflag:s28], $0x200  }
0xeb: {  	[sflag:s28] =	ssyncset.done $0x0  }
0xec: {  	[sflag:s28] =	ssyncadd.s32 $0xFFFFFE00;
	_ =	sdelay $0x2  }
0xed: {  	_ =	swait.ge [sflag:s28], $0x200  }
0xee: {  	[sflag:s28] =	ssyncset.done $0x0  }
0xef: {  	[sflag:s28] =	ssyncadd.s32 $0xFFFFFE00;
	_ =	sdelay $0x2  }
0xf0: {  	_ =	swait.ge [sflag:s28], $0x200  }
0xf1: {  	[sflag:s28] =	ssyncset.done $0x0  }
0xf2: {  	[sflag:s28] =	ssyncadd.s32 $0xFFFFFE00;
	_ =	sdelay $0x2  }
0xf3: {  	_ =	swait.ge [sflag:s28], $0x200  }
0xf4: {  	[sflag:s28] =	ssyncset.done $0x0  }
0xf5: {  	[sflag:s28] =	ssyncadd.s32 $0xFFFFFE00;
	_ =	sdelay $0x2  }
0xf6: {  	_ =	swait.ge [sflag:s28], $0x200  }
0xf7: {  	[sflag:s28] =	ssyncset.done $0x0  }
0xf8: {  	[sflag:s28] =	ssyncadd.s32 $0xFFFFFE00;
	_ =	sdelay $0x2  }
0xf9: {  	_ =	swait.ge [sflag:s28], $0x200  }
0xfa: {  	[sflag:s28] =	ssyncset.done $0x0  }
0xfb: {  	[sflag:s28] =	ssyncadd.s32 $0xFFFFFE00;
	_ =	sdelay $0x2  }
0xfc: {  	_ =	swait.ge [sflag:s28], $0x200  }
0xfd: {  	[sflag:s28] =	ssyncset.done $0x0  }
0xfe: {  	[sflag:s28] =	ssyncadd.s32 $0xFFFFFE00;
	_ =	sdelay $0x2  }
0xff: {  	_ =	swait.ge [sflag:s28], $0x200  }
0x100: {  	[sflag:s28] =	ssyncset.done $0x0  }
0x101: {  	[sflag:s28] =	ssyncadd.s32 $0xFFFFFE00;
	_ =	sdelay $0x2  }
0x102: {  	_ =	swait.ge [sflag:s28], $0x200  }
0x103: {  	[sflag:s28] =	ssyncset.done $0x0  }
0x104: {  	[sflag:s28] =	ssyncadd.s32 $0xFFFFFE00;
	_ =	sdelay $0x2  }
0x105: {  	_ =	swait.ge [sflag:s28], $0x200  }
0x106: {  	[sflag:s28] =	ssyncset.done $0x0  }
0x107: {  	[sflag:s28] =	ssyncadd.s32 $0xFFFFFE00;
	_ =	sdelay $0x2  }
0x108: {  	_ =	swait.ge [sflag:s28], $0x200  }
0x109: {  	[sflag:s28] =	ssyncset.done $0x0  }
0x10a: {  	[sflag:s28] =	ssyncadd.s32 $0xFFFFFE00;
	_ =	sdelay $0x2  }
0x10b: {  	_ =	swait.ge [sflag:s28], $0x200  }
0x10c: {  	[sflag:s28] =	ssyncset.done $0x0  }
0x10d: {  	[sflag:s28] =	ssyncadd.s32 $0xFFFFFE00;
	_ =	sdelay $0x2  }
0x10e: {  	_ =	swait.ge [sflag:s28], $0x200  }
0x10f: {  	[sflag:s28] =	ssyncset.done $0x0  }
0x110: {  	[sflag:s28] =	ssyncadd.s32 $0xFFFFFE00;
	_ =	sdelay $0x2  }
0x111: {  	_ =	swait.ge [sflag:s28], $0x200  }
0x112: {  	[sflag:s28] =	ssyncset.done $0x0  }
0x113: {  	[sflag:s28] =	ssyncadd.s32 $0xFFFFFE00;
	_ =	sdelay $0x2  }
0x114: {  	_ =	swait.ge [sflag:s28], $0x200  }
0x115: {  	[sflag:s28] =	ssyncset.done $0x0  }
0x116: {  	[sflag:s28] =	ssyncadd.s32 $0xFFFFFE00;
	_ =	sdelay $0x2  }
0x117: {  	_ =	swait.ge [sflag:s28], $0x200  }
0x118: {  	[sflag:s28] =	ssyncset.done $0x0  }
0x119: {  	[sflag:s28] =	ssyncadd.s32 $0xFFFFFE00  }
0x11a: {  	_ =	strace $0x90000046  }
0x11b: {  	_ =	sfence  }
0x11c: {  	s29 =	sld [smem:$0x0];
	_ =	sdelay $0x2  }
0x11d: {  	s30 =	sshll.u32 s1, $0xD;
	s31 =	sshrl.u32 s1, $0x2  }
0x11e: {  	s3 =	sand.u32 $0x4000, s30;
	s1 =	sadd.s32 s31, s29  }
0x11f: {  	s0 =	sor.u32 s3, s0;
	s1 =	sshll.u32 s1, $0x11  }
0x120: {  	s0 =	sor.u32 s1, s0  }
0x121: {  	s0 =	sadd.s32 $0x8F2B, s0;
	(pc) =	sbr.abs _section_cstart, $3  }
0x122: {  	[sflag:s0] =	ssyncadd.remote.s32 $0x1  }
0x123: {  	_ =	strace $0x9FFFFFFF  }
0x124: {  	(tm) =	ssettm $0x7FFFFFFF  }
0x125: {  	_ =	shalt  }

</sc_bundles>
